<compile_context>
chip_gen: v7x
topology: tpu7x:2x2x1
jax: 0.10.2.dev20260603
libtpu: 0.0.44.dev20260713+nightly
codegen_flags: <defaults>
</compile_context>

<pallas_src>
import jax
import jax.numpy as jnp
from jax import lax
from jax.experimental import pallas as pl
from jax.experimental.pallas import tpu as pltpu
from jax.experimental.pallas import tpu_sc as plsc

NUM_MODELS = 8
NUM_BOXES = 100000
DIM = 64
BATCH = 4096

_INFO = plsc.get_sparse_core_info()
NC = _INFO.num_cores
NS = _INFO.num_subcores
LANES = _INFO.num_lanes
NW = NC * NS
NROWS = NUM_MODELS * DIM
RPW = NROWS // NW
NVREG = BATCH // LANES


def _sc_body(z_hbm, ld_hbm, idx_hbm, out_hbm,
             idx_v, buf_v, zg_v, cap_v, sem_f, sem_oz, sem_oc):
    cid = lax.axis_index("c")
    sid = lax.axis_index("s")
    wid = sid * NC + cid
    r0 = wid * RPW
    m0 = r0 // DIM
    d0 = r0 % DIM

    pltpu.sync_copy(idx_hbm, idx_v)

    def fill(tab, r):
        return pltpu.make_async_copy(tab.at[r], buf_v, sem_f)

    def out_z(r, src):
        return pltpu.make_async_copy(src, out_hbm.at[r // DIM, 0, r % DIM],
                                     sem_oz)

    def out_c(r, src):
        return pltpu.make_async_copy(src, out_hbm.at[r // DIM, 1, r % DIM],
                                     sem_oc)

    fill(z_hbm, r0).start()
    out_z(r0, zg_v).start()
    out_c(r0, cap_v).start()

    def do_row(i, carry):
        r = r0 + i
        rn = jnp.minimum(r + 1, r0 + RPW - 1)

        fill(z_hbm, r).wait()
        out_z(r, zg_v).wait()

        def zgather(j, c):
            sl = pl.ds(j * LANES, LANES)
            zg_v[sl] = plsc.load_gather(buf_v, [idx_v[sl]])
            return c

        lax.fori_loop(0, NVREG, zgather, 0, unroll=4)

        fill(ld_hbm, r).start()
        out_z(r, zg_v).start()
        fill(ld_hbm, r).wait()
        out_c(r, cap_v).wait()

        def lgather(j, c):
            sl = pl.ds(j * LANES, LANES)
            cap_v[sl] = zg_v[sl] + jnp.exp(
                plsc.load_gather(buf_v, [idx_v[sl]]))
            return c

        lax.fori_loop(0, NVREG, lgather, 0, unroll=4)

        fill(z_hbm, rn).start()
        out_c(r, cap_v).start()
        return carry

    lax.fori_loop(0, RPW, do_row, 0)

    fill(z_hbm, r0 + RPW - 1).wait()
    out_z(r0, zg_v).wait()
    out_c(r0, cap_v).wait()


@jax.jit
def kernel(box_indices, z, logdelta):
    zT = z.transpose(0, 2, 1).reshape(NROWS, NUM_BOXES)
    ldT = logdelta.transpose(0, 2, 1).reshape(NROWS, NUM_BOXES)
    idx = box_indices.astype(jnp.int32)

    mesh = plsc.VectorSubcoreMesh(core_axis_name="c", subcore_axis_name="s")
    out = pl.kernel(
        _sc_body,
        out_type=jax.ShapeDtypeStruct((NUM_MODELS, 2, DIM, BATCH),
                                      jnp.float32),
        mesh=mesh,
        compiler_params=pltpu.CompilerParams(needs_layout_passes=False),
        scratch_types=[
            pltpu.VMEM((BATCH,), jnp.int32),
            pltpu.VMEM((NUM_BOXES,), jnp.float32),
            pltpu.VMEM((BATCH,), jnp.float32),
            pltpu.VMEM((BATCH,), jnp.float32),
            pltpu.SemaphoreType.DMA,
            pltpu.SemaphoreType.DMA,
            pltpu.SemaphoreType.DMA,
        ],
    )(zT, ldT, idx)

    return out.transpose(0, 3, 1, 2)

# --- scband reference (transcript-rebuilt; emitter-appended) ---
"""Pipeline reference for scband-delta-boxes-36507222016157 (READ-ONLY COPY).

The authoritative reference and input builder live on the scoring server;
editing this copy changes nothing except your own understanding.
"""

import jax, jax.numpy as jnp
import numpy as np

NUM_MODELS = 8
NUM_BOXES = 100000
DIM = 64
BATCH = 4096


def setup_inputs(seed: int = 0) -> dict:
    key = jax.random.key(seed)
    k1, k2, k3 = jax.random.split(key, 3)
    z = jax.random.uniform(k1, (NUM_MODELS, NUM_BOXES, DIM), dtype=jnp.float32)
    logdelta = jax.random.uniform(k2, (NUM_MODELS, NUM_BOXES, DIM), dtype=jnp.float32)
    box_indices = jax.random.randint(k3, (BATCH,), 0, NUM_BOXES, dtype=jnp.int64 if jax.config.jax_enable_x64 else jnp.int32)
    return {"box_indices": box_indices, "z": z, "logdelta": logdelta}


def reference(box_indices, z, logdelta):
    # Gather min-coordinates for the selected boxes: (model, B, dim)
    z_min = jnp.take(z, box_indices, axis=1)
    # Max coordinate Z = z + exp(logdelta) (forces positive side lengths)
    Z = z_min + jnp.exp(jnp.take(logdelta, box_indices, axis=1))
    # Stack along new 'zZ' axis -> (model, id, zZ, dim)
    return jnp.stack((z_min, Z), axis=2)

if __name__ == "__main__":
    import jax
    _d = setup_inputs()
    print(jax.jit(kernel)(*tuple(_d.values())))

</pallas_src>

<mosaic_0001>
#map = affine_map<(d0, d1) -> (0, 0)>
#map1 = affine_map<(d0, d1) -> (0)>
#map2 = affine_map<(d0, d1) -> (0, 0, 0, 0)>
module attributes {stable_mosaic.version = 14 : i64} {
  func.func @_sc_body(%arg0: i32, %arg1: i32, %arg2: memref<512x100000xf32, #tpu.memory_space<hbm>>, %arg3: memref<512x100000xf32, #tpu.memory_space<hbm>>, %arg4: memref<4096xi32, #tpu.memory_space<hbm>>, %arg5: memref<8x2x64x4096xf32, #tpu.memory_space<hbm>>, %arg6: memref<4096xi32, #tpu.memory_space<vmem>>, %arg7: memref<100000xf32, #tpu.memory_space<vmem>>, %arg8: memref<4096xf32, #tpu.memory_space<vmem>>, %arg9: memref<4096xf32, #tpu.memory_space<vmem>>, %arg10: memref<!tpu.dma_semaphore, #tpu.memory_space<semaphore_mem>>, %arg11: memref<!tpu.dma_semaphore, #tpu.memory_space<semaphore_mem>>, %arg12: memref<!tpu.dma_semaphore, #tpu.memory_space<semaphore_mem>>) attributes {dimension_semantics = [#tpu.dimension_semantics<core_parallel>, #tpu.dimension_semantics<subcore_parallel>], iteration_bounds = array<i64: 2, 16>, scalar_prefetch = 0 : i64, scratch_operands = 7 : i64, tpu.core_type = #tpu.core_type<sc_vector_subcore>, window_params = [{transform_indices = #map}, {transform_indices = #map}, {transform_indices = #map1}, {transform_indices = #map2}]} {
    %mul3A = arith.constant 2 : i32
    %mul3A_0 = arith.muli %arg1, %mul3A : i32
    %add3A = arith.addi %mul3A_0, %arg0 : i32
    %mul3A_1 = arith.constant 16 : i32
    %mul3A_2 = arith.muli %add3A, %mul3A_1 : i32
    %jit3A = arith.constant 64 : i32
    %div3A = arith.divsi %mul3A_2, %jit3A : i32
    %sign3A = arith.constant 0 : i32
    %sign3A_3 = arith.cmpi sgt, %mul3A_2, %sign3A : i32
    %sign3A_4 = arith.extui %sign3A_3 : i1 to i32
    %sign3A_5 = arith.constant 0 : i32
    %sign3A_6 = arith.cmpi slt, %mul3A_2, %sign3A_5 : i32
    %sign3A_7 = arith.extui %sign3A_6 : i1 to i32
    %sign3A_8 = arith.subi %sign3A_4, %sign3A_7 : i32
    %sign3A_9 = arith.constant 0 : i32
    %sign3A_10 = arith.cmpi sgt, %jit3A, %sign3A_9 : i32
    %sign3A_11 = arith.extui %sign3A_10 : i1 to i32
    %sign3A_12 = arith.constant 0 : i32
    %sign3A_13 = arith.cmpi slt, %jit3A, %sign3A_12 : i32
    %sign3A_14 = arith.extui %sign3A_13 : i1 to i32
    %sign3A_15 = arith.subi %sign3A_11, %sign3A_14 : i32
    %ne3A = arith.cmpi ne, %sign3A_8, %sign3A_15 : i32
    %rem3A = arith.remsi %mul3A_2, %jit3A : i32
    %ne3A_16 = arith.constant 0 : i32
    %ne3A_17 = arith.cmpi ne, %rem3A, %ne3A_16 : i32
    %and3A = arith.andi %ne3A, %ne3A_17 : i1
    %sub3A = arith.constant 1 : i32
    %sub3A_18 = arith.subi %div3A, %sub3A : i32
    %select_n3A = arith.select %and3A, %sub3A_18, %div3A : i32
    %jit3A_19 = arith.constant 64 : i32
    %eq3A = arith.constant 0 : i32
    %eq3A_20 = arith.cmpi eq, %jit3A_19, %eq3A : i32
    %jit3A_21 = arith.constant 1 : i32
    %select_n3A_22 = arith.select %eq3A_20, %jit3A_21, %jit3A_19 : i32
    %rem3A_23 = arith.remsi %mul3A_2, %select_n3A_22 : i32
    %ne3A_24 = arith.constant 0 : i32
    %ne3A_25 = arith.cmpi ne, %rem3A_23, %ne3A_24 : i32
    %lt3A = arith.constant 0 : i32
    %lt3A_26 = arith.cmpi slt, %rem3A_23, %lt3A : i32
    %lt3A_27 = arith.constant 0 : i32
    %lt3A_28 = arith.cmpi slt, %select_n3A_22, %lt3A_27 : i32
    %ne3A_29 = arith.xori %lt3A_26, %lt3A_28 : i1
    %and3A_30 = arith.andi %ne3A_29, %ne3A_25 : i1
    %add3A_31 = arith.addi %rem3A_23, %select_n3A_22 : i32
    %select_n3A_32 = arith.select %and3A_30, %add3A_31, %rem3A_23 : i32
    "tpu.region"() ({
      %run_scoped3A = tpu.sem_alloc : memref<!tpu.dma_semaphore, #tpu.memory_space<semaphore_mem>>
      tpu.enqueue_dma source(%arg4 : memref<4096xi32, #tpu.memory_space<hbm>>) target(%arg6 : memref<4096xi32, #tpu.memory_space<vmem>>) target_semaphore(%run_scoped3A : memref<!tpu.dma_semaphore, #tpu.memory_space<semaphore_mem>>)
      tpu.wait_dma2 semaphore(%run_scoped3A : memref<!tpu.dma_semaphore, #tpu.memory_space<semaphore_mem>>) src(%arg4 : memref<4096xi32, #tpu.memory_space<hbm>>) dst(%arg6 : memref<4096xi32, #tpu.memory_space<vmem>>)
      tpu.yield
    }) : () -> ()
    %dma_start3A = arith.constant 0 : i32
    %dma_start3A_33 = tpu.memref_slice %arg2[%mul3A_2, %dma_start3A] : memref<512x100000xf32, #tpu.memory_space<hbm>> -> memref<1x100000xf32, #tpu.memory_space<hbm>>
    %dma_start3A_34 = tpu.memref_squeeze %dma_start3A_33 : memref<1x100000xf32, #tpu.memory_space<hbm>> -> memref<100000xf32, #tpu.memory_space<hbm>>
    %dma_start3A_35 = arith.constant 0 : i32
    %dma_start3A_36 = tpu.memref_slice %arg2[%mul3A_2, %dma_start3A_35] : memref<512x100000xf32, #tpu.memory_space<hbm>> -> memref<1x100000xf32, #tpu.memory_space<hbm>>
    %dma_start3A_37 = tpu.memref_squeeze %dma_start3A_36 : memref<1x100000xf32, #tpu.memory_space<hbm>> -> memref<100000xf32, #tpu.memory_space<hbm>>
    tpu.enqueue_dma source(%dma_start3A_37 : memref<100000xf32, #tpu.memory_space<hbm>>) target(%arg7 : memref<100000xf32, #tpu.memory_space<vmem>>) target_semaphore(%arg10 : memref<!tpu.dma_semaphore, #tpu.memory_space<semaphore_mem>>)
    %jit3A_38 = arith.constant 64 : i32
    %div3A_39 = arith.divsi %mul3A_2, %jit3A_38 : i32
    %sign3A_40 = arith.constant 0 : i32
    %sign3A_41 = arith.cmpi sgt, %mul3A_2, %sign3A_40 : i32
    %sign3A_42 = arith.extui %sign3A_41 : i1 to i32
    %sign3A_43 = arith.constant 0 : i32
    %sign3A_44 = arith.cmpi slt, %mul3A_2, %sign3A_43 : i32
    %sign3A_45 = arith.extui %sign3A_44 : i1 to i32
    %sign3A_46 = arith.subi %sign3A_42, %sign3A_45 : i32
    %sign3A_47 = arith.constant 0 : i32
    %sign3A_48 = arith.cmpi sgt, %jit3A_38, %sign3A_47 : i32
    %sign3A_49 = arith.extui %sign3A_48 : i1 to i32
    %sign3A_50 = arith.constant 0 : i32
    %sign3A_51 = arith.cmpi slt, %jit3A_38, %sign3A_50 : i32
    %sign3A_52 = arith.extui %sign3A_51 : i1 to i32
    %sign3A_53 = arith.subi %sign3A_49, %sign3A_52 : i32
    %ne3A_54 = arith.cmpi ne, %sign3A_46, %sign3A_53 : i32
    %rem3A_55 = arith.remsi %mul3A_2, %jit3A_38 : i32
    %ne3A_56 = arith.constant 0 : i32
    %ne3A_57 = arith.cmpi ne, %rem3A_55, %ne3A_56 : i32
    %and3A_58 = arith.andi %ne3A_54, %ne3A_57 : i1
    %sub3A_59 = arith.constant 1 : i32
    %sub3A_60 = arith.subi %div3A_39, %sub3A_59 : i32
    %select_n3A_61 = arith.select %and3A_58, %sub3A_60, %div3A_39 : i32
    %jit3A_62 = arith.constant 64 : i32
    %eq3A_63 = arith.constant 0 : i32
    %eq3A_64 = arith.cmpi eq, %jit3A_62, %eq3A_63 : i32
    %jit3A_65 = arith.constant 1 : i32
    %select_n3A_66 = arith.select %eq3A_64, %jit3A_65, %jit3A_62 : i32
    %rem3A_67 = arith.remsi %mul3A_2, %select_n3A_66 : i32
    %ne3A_68 = arith.constant 0 : i32
    %ne3A_69 = arith.cmpi ne, %rem3A_67, %ne3A_68 : i32
    %lt3A_70 = arith.constant 0 : i32
    %lt3A_71 = arith.cmpi slt, %rem3A_67, %lt3A_70 : i32
    %lt3A_72 = arith.constant 0 : i32
    %lt3A_73 = arith.cmpi slt, %select_n3A_66, %lt3A_72 : i32
    %ne3A_74 = arith.xori %lt3A_71, %lt3A_73 : i1
    %and3A_75 = arith.andi %ne3A_74, %ne3A_69 : i1
    %add3A_76 = arith.addi %rem3A_67, %select_n3A_66 : i32
    %select_n3A_77 = arith.select %and3A_75, %add3A_76, %rem3A_67 : i32
    %dma_start3A_78 = arith.constant 0 : i32
    %dma_start3A_79 = arith.constant 0 : i32
    %dma_start3A_80 = tpu.memref_slice %arg5[%select_n3A_61, %dma_start3A_78, %select_n3A_77, %dma_start3A_79] : memref<8x2x64x4096xf32, #tpu.memory_space<hbm>> -> memref<1x1x1x4096xf32, #tpu.memory_space<hbm>>
    %dma_start3A_81 = tpu.memref_squeeze %dma_start3A_80 : memref<1x1x1x4096xf32, #tpu.memory_space<hbm>> -> memref<4096xf32, #tpu.memory_space<hbm>>
    %dma_start3A_82 = arith.constant 0 : i32
    %dma_start3A_83 = tpu.memref_slice %arg5[%select_n3A_61, %dma_start3A_78, %select_n3A_77, %dma_start3A_82] : memref<8x2x64x4096xf32, #tpu.memory_space<hbm>> -> memref<1x1x1x4096xf32, #tpu.memory_space<hbm>>
    %dma_start3A_84 = tpu.memref_squeeze %dma_start3A_83 : memref<1x1x1x4096xf32, #tpu.memory_space<hbm>> -> memref<4096xf32, #tpu.memory_space<hbm>>
    tpu.enqueue_dma source(%arg8 : memref<4096xf32, #tpu.memory_space<vmem>>) target(%dma_start3A_84 : memref<4096xf32, #tpu.memory_space<hbm>>) target_semaphore(%arg11 : memref<!tpu.dma_semaphore, #tpu.memory_space<semaphore_mem>>)
    %jit3A_85 = arith.constant 64 : i32
    %div3A_86 = arith.divsi %mul3A_2, %jit3A_85 : i32
    %sign3A_87 = arith.constant 0 : i32
    %sign3A_88 = arith.cmpi sgt, %mul3A_2, %sign3A_87 : i32
    %sign3A_89 = arith.extui %sign3A_88 : i1 to i32
    %sign3A_90 = arith.constant 0 : i32
    %sign3A_91 = arith.cmpi slt, %mul3A_2, %sign3A_90 : i32
    %sign3A_92 = arith.extui %sign3A_91 : i1 to i32
    %sign3A_93 = arith.subi %sign3A_89, %sign3A_92 : i32
    %sign3A_94 = arith.constant 0 : i32
    %sign3A_95 = arith.cmpi sgt, %jit3A_85, %sign3A_94 : i32
    %sign3A_96 = arith.extui %sign3A_95 : i1 to i32
    %sign3A_97 = arith.constant 0 : i32
    %sign3A_98 = arith.cmpi slt, %jit3A_85, %sign3A_97 : i32
    %sign3A_99 = arith.extui %sign3A_98 : i1 to i32
    %sign3A_100 = arith.subi %sign3A_96, %sign3A_99 : i32
    %ne3A_101 = arith.cmpi ne, %sign3A_93, %sign3A_100 : i32
    %rem3A_102 = arith.remsi %mul3A_2, %jit3A_85 : i32
    %ne3A_103 = arith.constant 0 : i32
    %ne3A_104 = arith.cmpi ne, %rem3A_102, %ne3A_103 : i32
    %and3A_105 = arith.andi %ne3A_101, %ne3A_104 : i1
    %sub3A_106 = arith.constant 1 : i32
    %sub3A_107 = arith.subi %div3A_86, %sub3A_106 : i32
    %select_n3A_108 = arith.select %and3A_105, %sub3A_107, %div3A_86 : i32
    %jit3A_109 = arith.constant 64 : i32
    %eq3A_110 = arith.constant 0 : i32
    %eq3A_111 = arith.cmpi eq, %jit3A_109, %eq3A_110 : i32
    %jit3A_112 = arith.constant 1 : i32
    %select_n3A_113 = arith.select %eq3A_111, %jit3A_112, %jit3A_109 : i32
    %rem3A_114 = arith.remsi %mul3A_2, %select_n3A_113 : i32
    %ne3A_115 = arith.constant 0 : i32
    %ne3A_116 = arith.cmpi ne, %rem3A_114, %ne3A_115 : i32
    %lt3A_117 = arith.constant 0 : i32
    %lt3A_118 = arith.cmpi slt, %rem3A_114, %lt3A_117 : i32
    %lt3A_119 = arith.constant 0 : i32
    %lt3A_120 = arith.cmpi slt, %select_n3A_113, %lt3A_119 : i32
    %ne3A_121 = arith.xori %lt3A_118, %lt3A_120 : i1
    %and3A_122 = arith.andi %ne3A_121, %ne3A_116 : i1
    %add3A_123 = arith.addi %rem3A_114, %select_n3A_113 : i32
    %select_n3A_124 = arith.select %and3A_122, %add3A_123, %rem3A_114 : i32
    %dma_start3A_125 = arith.constant 1 : i32
    %dma_start3A_126 = arith.constant 0 : i32
    %dma_start3A_127 = tpu.memref_slice %arg5[%select_n3A_108, %dma_start3A_125, %select_n3A_124, %dma_start3A_126] : memref<8x2x64x4096xf32, #tpu.memory_space<hbm>> -> memref<1x1x1x4096xf32, #tpu.memory_space<hbm>>
    %dma_start3A_128 = tpu.memref_squeeze %dma_start3A_127 : memref<1x1x1x4096xf32, #tpu.memory_space<hbm>> -> memref<4096xf32, #tpu.memory_space<hbm>>
    %dma_start3A_129 = arith.constant 0 : i32
    %dma_start3A_130 = tpu.memref_slice %arg5[%select_n3A_108, %dma_start3A_125, %select_n3A_124, %dma_start3A_129] : memref<8x2x64x4096xf32, #tpu.memory_space<hbm>> -> memref<1x1x1x4096xf32, #tpu.memory_space<hbm>>
    %dma_start3A_131 = tpu.memref_squeeze %dma_start3A_130 : memref<1x1x1x4096xf32, #tpu.memory_space<hbm>> -> memref<4096xf32, #tpu.memory_space<hbm>>
    tpu.enqueue_dma source(%arg9 : memref<4096xf32, #tpu.memory_space<vmem>>) target(%dma_start3A_131 : memref<4096xf32, #tpu.memory_space<hbm>>) target_semaphore(%arg12 : memref<!tpu.dma_semaphore, #tpu.memory_space<semaphore_mem>>)
    %scan3A = arith.constant 0 : i32
    %scan3A_132 = arith.constant 0 : i32
    %scan3A_133 = arith.constant 16 : i32
    %scan3A_134 = arith.addi %scan3A_132, %scan3A_133 : i32
    %scan3A_135 = arith.constant 1 : i32
    scf.for %scan3A_240 = %scan3A_132 to %scan3A_134 step %scan3A_135  : i32 {
      %add3A_241 = arith.addi %mul3A_2, %scan3A_240 : i32
      %add3A_242 = arith.constant 1 : i32
      %add3A_243 = arith.addi %add3A_241, %add3A_242 : i32
      %add3A_244 = arith.constant 16 : i32
      %add3A_245 = arith.addi %mul3A_2, %add3A_244 : i32
      %sub3A_246 = arith.constant 1 : i32
      %sub3A_247 = arith.subi %add3A_245, %sub3A_246 : i32
      %min3A = arith.minsi %add3A_243, %sub3A_247 : i32
      %dma_wait3A_248 = arith.constant 0 : i32
      %dma_wait3A_249 = tpu.memref_slice %arg2[%add3A_241, %dma_wait3A_248] : memref<512x100000xf32, #tpu.memory_space<hbm>> -> memref<1x100000xf32, #tpu.memory_space<hbm>>
      %dma_wait3A_250 = tpu.memref_squeeze %dma_wait3A_249 : memref<1x100000xf32, #tpu.memory_space<hbm>> -> memref<100000xf32, #tpu.memory_space<hbm>>
      %dma_wait3A_251 = arith.constant 0 : i32
      %dma_wait3A_252 = tpu.memref_slice %arg2[%add3A_241, %dma_wait3A_251] : memref<512x100000xf32, #tpu.memory_space<hbm>> -> memref<1x100000xf32, #tpu.memory_space<hbm>>
      %dma_wait3A_253 = tpu.memref_squeeze %dma_wait3A_252 : memref<1x100000xf32, #tpu.memory_space<hbm>> -> memref<100000xf32, #tpu.memory_space<hbm>>
      tpu.wait_dma2 semaphore(%arg10 : memref<!tpu.dma_semaphore, #tpu.memory_space<semaphore_mem>>) src(%dma_wait3A_253 : memref<100000xf32, #tpu.memory_space<hbm>>) dst(%arg7 : memref<100000xf32, #tpu.memory_space<vmem>>)
      %jit3A_254 = arith.constant 64 : i32
      %div3A_255 = arith.divsi %add3A_241, %jit3A_254 : i32
      %sign3A_256 = arith.constant 0 : i32
      %sign3A_257 = arith.cmpi sgt, %add3A_241, %sign3A_256 : i32
      %sign3A_258 = arith.extui %sign3A_257 : i1 to i32
      %sign3A_259 = arith.constant 0 : i32
      %sign3A_260 = arith.cmpi slt, %add3A_241, %sign3A_259 : i32
      %sign3A_261 = arith.extui %sign3A_260 : i1 to i32
      %sign3A_262 = arith.subi %sign3A_258, %sign3A_261 : i32
      %sign3A_263 = arith.constant 0 : i32
      %sign3A_264 = arith.cmpi sgt, %jit3A_254, %sign3A_263 : i32
      %sign3A_265 = arith.extui %sign3A_264 : i1 to i32
      %sign3A_266 = arith.constant 0 : i32
      %sign3A_267 = arith.cmpi slt, %jit3A_254, %sign3A_266 : i32
      %sign3A_268 = arith.extui %sign3A_267 : i1 to i32
      %sign3A_269 = arith.subi %sign3A_265, %sign3A_268 : i32
      %ne3A_270 = arith.cmpi ne, %sign3A_262, %sign3A_269 : i32
      %rem3A_271 = arith.remsi %add3A_241, %jit3A_254 : i32
      %ne3A_272 = arith.constant 0 : i32
      %ne3A_273 = arith.cmpi ne, %rem3A_271, %ne3A_272 : i32
      %and3A_274 = arith.andi %ne3A_270, %ne3A_273 : i1
      %sub3A_275 = arith.constant 1 : i32
      %sub3A_276 = arith.subi %div3A_255, %sub3A_275 : i32
      %select_n3A_277 = arith.select %and3A_274, %sub3A_276, %div3A_255 : i32
      %jit3A_278 = arith.constant 64 : i32
      %eq3A_279 = arith.constant 0 : i32
      %eq3A_280 = arith.cmpi eq, %jit3A_278, %eq3A_279 : i32
      %jit3A_281 = arith.constant 1 : i32
      %select_n3A_282 = arith.select %eq3A_280, %jit3A_281, %jit3A_278 : i32
      %rem3A_283 = arith.remsi %add3A_241, %select_n3A_282 : i32
      %ne3A_284 = arith.constant 0 : i32
      %ne3A_285 = arith.cmpi ne, %rem3A_283, %ne3A_284 : i32
      %lt3A_286 = arith.constant 0 : i32
      %lt3A_287 = arith.cmpi slt, %rem3A_283, %lt3A_286 : i32
      %lt3A_288 = arith.constant 0 : i32
      %lt3A_289 = arith.cmpi slt, %select_n3A_282, %lt3A_288 : i32
      %ne3A_290 = arith.xori %lt3A_287, %lt3A_289 : i1
      %and3A_291 = arith.andi %ne3A_290, %ne3A_285 : i1
      %add3A_292 = arith.addi %rem3A_283, %select_n3A_282 : i32
      %select_n3A_293 = arith.select %and3A_291, %add3A_292, %rem3A_283 : i32
      %dma_wait3A_294 = arith.constant 0 : i32
      %dma_wait3A_295 = arith.constant 0 : i32
      %dma_wait3A_296 = tpu.memref_slice %arg5[%select_n3A_277, %dma_wait3A_294, %select_n3A_293, %dma_wait3A_295] : memref<8x2x64x4096xf32, #tpu.memory_space<hbm>> -> memref<1x1x1x4096xf32, #tpu.memory_space<hbm>>
      %dma_wait3A_297 = tpu.memref_squeeze %dma_wait3A_296 : memref<1x1x1x4096xf32, #tpu.memory_space<hbm>> -> memref<4096xf32, #tpu.memory_space<hbm>>
      %dma_wait3A_298 = arith.constant 0 : i32
      %dma_wait3A_299 = tpu.memref_slice %arg5[%select_n3A_277, %dma_wait3A_294, %select_n3A_293, %dma_wait3A_298] : memref<8x2x64x4096xf32, #tpu.memory_space<hbm>> -> memref<1x1x1x4096xf32, #tpu.memory_space<hbm>>
      %dma_wait3A_300 = tpu.memref_squeeze %dma_wait3A_299 : memref<1x1x1x4096xf32, #tpu.memory_space<hbm>> -> memref<4096xf32, #tpu.memory_space<hbm>>
      tpu.wait_dma2 semaphore(%arg11 : memref<!tpu.dma_semaphore, #tpu.memory_space<semaphore_mem>>) src(%arg8 : memref<4096xf32, #tpu.memory_space<vmem>>) dst(%dma_wait3A_300 : memref<4096xf32, #tpu.memory_space<hbm>>)
      %scan3A_301 = arith.constant 0 : i32
      %scan3A_302 = arith.constant 0 : i32
      %scan3A_303 = arith.constant 256 : i32
      %scan3A_304 = arith.addi %scan3A_302, %scan3A_303 : i32
      %scan3A_305 = arith.constant 4 : i32
      scf.for %scan3A_472 = %scan3A_302 to %scan3A_304 step %scan3A_305  : i32 {
        %mul3A_473 = arith.constant 16 : i32
        %mul3A_474 = arith.muli %scan3A_472, %mul3A_473 : i32
        %get3A = arith.index_cast %mul3A_474 : i32 to index
        %get3A_475 = tpu.vector_load %arg6[%get3A] {strides = array<i32>} : memref<4096xi32, #tpu.memory_space<vmem>>, vector<16xi32>,
        %gather3A = tpu.vector_load_idx %arg7[%get3A_475] : memref<100000xf32, #tpu.memory_space<vmem>>[vector<16xi32>], vector<16xf32>,
        %swap3A = arith.index_cast %mul3A_474 : i32 to index
        %swap3A_476 = tpu.vector_load %arg8[%swap3A] {strides = array<i32>} : memref<4096xf32, #tpu.memory_space<vmem>>, vector<16xf32>,
        tpu.vector_store %arg8[%swap3A], %gather3A {strides = array<i32>} : memref<4096xf32, #tpu.memory_space<vmem>>, vector<16xf32>,
        %scan3A_477 = arith.constant 1 : i32
        %scan3A_478 = arith.addi %scan3A_472, %scan3A_477 : i32
        %mul3A_479 = arith.constant 16 : i32
        %mul3A_480 = arith.muli %scan3A_478, %mul3A_479 : i32
        %get3A_481 = arith.index_cast %mul3A_480 : i32 to index
        %get3A_482 = tpu.vector_load %arg6[%get3A_481] {strides = array<i32>} : memref<4096xi32, #tpu.memory_space<vmem>>, vector<16xi32>,
        %gather3A_483 = tpu.vector_load_idx %arg7[%get3A_482] : memref<100000xf32, #tpu.memory_space<vmem>>[vector<16xi32>], vector<16xf32>,
        %swap3A_484 = arith.index_cast %mul3A_480 : i32 to index
        %swap3A_485 = tpu.vector_load %arg8[%swap3A_484] {strides = array<i32>} : memref<4096xf32, #tpu.memory_space<vmem>>, vector<16xf32>,
        tpu.vector_store %arg8[%swap3A_484], %gather3A_483 {strides = array<i32>} : memref<4096xf32, #tpu.memory_space<vmem>>, vector<16xf32>,
        %scan3A_486 = arith.constant 2 : i32
        %scan3A_487 = arith.addi %scan3A_472, %scan3A_486 : i32
        %mul3A_488 = arith.constant 16 : i32
        %mul3A_489 = arith.muli %scan3A_487, %mul3A_488 : i32
        %get3A_490 = arith.index_cast %mul3A_489 : i32 to index
        %get3A_491 = tpu.vector_load %arg6[%get3A_490] {strides = array<i32>} : memref<4096xi32, #tpu.memory_space<vmem>>, vector<16xi32>,
        %gather3A_492 = tpu.vector_load_idx %arg7[%get3A_491] : memref<100000xf32, #tpu.memory_space<vmem>>[vector<16xi32>], vector<16xf32>,
        %swap3A_493 = arith.index_cast %mul3A_489 : i32 to index
        %swap3A_494 = tpu.vector_load %arg8[%swap3A_493] {strides = array<i32>} : memref<4096xf32, #tpu.memory_space<vmem>>, vector<16xf32>,
        tpu.vector_store %arg8[%swap3A_493], %gather3A_492 {strides = array<i32>} : memref<4096xf32, #tpu.memory_space<vmem>>, vector<16xf32>,
        %scan3A_495 = arith.constant 3 : i32
        %scan3A_496 = arith.addi %scan3A_472, %scan3A_495 : i32
        %mul3A_497 = arith.constant 16 : i32
        %mul3A_498 = arith.muli %scan3A_496, %mul3A_497 : i32
        %get3A_499 = arith.index_cast %mul3A_498 : i32 to index
        %get3A_500 = tpu.vector_load %arg6[%get3A_499] {strides = array<i32>} : memref<4096xi32, #tpu.memory_space<vmem>>, vector<16xi32>,
        %gather3A_501 = tpu.vector_load_idx %arg7[%get3A_500] : memref<100000xf32, #tpu.memory_space<vmem>>[vector<16xi32>], vector<16xf32>,
        %swap3A_502 = arith.index_cast %mul3A_498 : i32 to index
        %swap3A_503 = tpu.vector_load %arg8[%swap3A_502] {strides = array<i32>} : memref<4096xf32, #tpu.memory_space<vmem>>, vector<16xf32>,
        tpu.vector_store %arg8[%swap3A_502], %gather3A_501 {strides = array<i32>} : memref<4096xf32, #tpu.memory_space<vmem>>, vector<16xf32>,
      }
      %scan3A_306 = arith.constant 256 : i32
      %dma_start3A_307 = arith.constant 0 : i32
      %dma_start3A_308 = tpu.memref_slice %arg3[%add3A_241, %dma_start3A_307] : memref<512x100000xf32, #tpu.memory_space<hbm>> -> memref<1x100000xf32, #tpu.memory_space<hbm>>
      %dma_start3A_309 = tpu.memref_squeeze %dma_start3A_308 : memref<1x100000xf32, #tpu.memory_space<hbm>> -> memref<100000xf32, #tpu.memory_space<hbm>>
      %dma_start3A_310 = arith.constant 0 : i32
      %dma_start3A_311 = tpu.memref_slice %arg3[%add3A_241, %dma_start3A_310] : memref<512x100000xf32, #tpu.memory_space<hbm>> -> memref<1x100000xf32, #tpu.memory_space<hbm>>
      %dma_start3A_312 = tpu.memref_squeeze %dma_start3A_311 : memref<1x100000xf32, #tpu.memory_space<hbm>> -> memref<100000xf32, #tpu.memory_space<hbm>>
      tpu.enqueue_dma source(%dma_start3A_312 : memref<100000xf32, #tpu.memory_space<hbm>>) target(%arg7 : memref<100000xf32, #tpu.memory_space<vmem>>) target_semaphore(%arg10 : memref<!tpu.dma_semaphore, #tpu.memory_space<semaphore_mem>>)
      %jit3A_313 = arith.constant 64 : i32
      %div3A_314 = arith.divsi %add3A_241, %jit3A_313 : i32
      %sign3A_315 = arith.constant 0 : i32
      %sign3A_316 = arith.cmpi sgt, %add3A_241, %sign3A_315 : i32
      %sign3A_317 = arith.extui %sign3A_316 : i1 to i32
      %sign3A_318 = arith.constant 0 : i32
      %sign3A_319 = arith.cmpi slt, %add3A_241, %sign3A_318 : i32
      %sign3A_320 = arith.extui %sign3A_319 : i1 to i32
      %sign3A_321 = arith.subi %sign3A_317, %sign3A_320 : i32
      %sign3A_322 = arith.constant 0 : i32
      %sign3A_323 = arith.cmpi sgt, %jit3A_313, %sign3A_322 : i32
      %sign3A_324 = arith.extui %sign3A_323 : i1 to i32
      %sign3A_325 = arith.constant 0 : i32
      %sign3A_326 = arith.cmpi slt, %jit3A_313, %sign3A_325 : i32
      %sign3A_327 = arith.extui %sign3A_326 : i1 to i32
      %sign3A_328 = arith.subi %sign3A_324, %sign3A_327 : i32
      %ne3A_329 = arith.cmpi ne, %sign3A_321, %sign3A_328 : i32
      %rem3A_330 = arith.remsi %add3A_241, %jit3A_313 : i32
      %ne3A_331 = arith.constant 0 : i32
      %ne3A_332 = arith.cmpi ne, %rem3A_330, %ne3A_331 : i32
      %and3A_333 = arith.andi %ne3A_329, %ne3A_332 : i1
      %sub3A_334 = arith.constant 1 : i32
      %sub3A_335 = arith.subi %div3A_314, %sub3A_334 : i32
      %select_n3A_336 = arith.select %and3A_333, %sub3A_335, %div3A_314 : i32
      %jit3A_337 = arith.constant 64 : i32
      %eq3A_338 = arith.constant 0 : i32
      %eq3A_339 = arith.cmpi eq, %jit3A_337, %eq3A_338 : i32
      %jit3A_340 = arith.constant 1 : i32
      %select_n3A_341 = arith.select %eq3A_339, %jit3A_340, %jit3A_337 : i32
      %rem3A_342 = arith.remsi %add3A_241, %select_n3A_341 : i32
      %ne3A_343 = arith.constant 0 : i32
      %ne3A_344 = arith.cmpi ne, %rem3A_342, %ne3A_343 : i32
      %lt3A_345 = arith.constant 0 : i32
      %lt3A_346 = arith.cmpi slt, %rem3A_342, %lt3A_345 : i32
      %lt3A_347 = arith.constant 0 : i32
      %lt3A_348 = arith.cmpi slt, %select_n3A_341, %lt3A_347 : i32
      %ne3A_349 = arith.xori %lt3A_346, %lt3A_348 : i1
      %and3A_350 = arith.andi %ne3A_349, %ne3A_344 : i1
      %add3A_351 = arith.addi %rem3A_342, %select_n3A_341 : i32
      %select_n3A_352 = arith.select %and3A_350, %add3A_351, %rem3A_342 : i32
      %dma_start3A_353 = arith.constant 0 : i32
      %dma_start3A_354 = arith.constant 0 : i32
      %dma_start3A_355 = tpu.memref_slice %arg5[%select_n3A_336, %dma_start3A_353, %select_n3A_352, %dma_start3A_354] : memref<8x2x64x4096xf32, #tpu.memory_space<hbm>> -> memref<1x1x1x4096xf32, #tpu.memory_space<hbm>>
      %dma_start3A_356 = tpu.memref_squeeze %dma_start3A_355 : memref<1x1x1x4096xf32, #tpu.memory_space<hbm>> -> memref<4096xf32, #tpu.memory_space<hbm>>
      %dma_start3A_357 = arith.constant 0 : i32
      %dma_start3A_358 = tpu.memref_slice %arg5[%select_n3A_336, %dma_start3A_353, %select_n3A_352, %dma_start3A_357] : memref<8x2x64x4096xf32, #tpu.memory_space<hbm>> -> memref<1x1x1x4096xf32, #tpu.memory_space<hbm>>
      %dma_start3A_359 = tpu.memref_squeeze %dma_start3A_358 : memref<1x1x1x4096xf32, #tpu.memory_space<hbm>> -> memref<4096xf32, #tpu.memory_space<hbm>>
      tpu.enqueue_dma source(%arg8 : memref<4096xf32, #tpu.memory_space<vmem>>) target(%dma_start3A_359 : memref<4096xf32, #tpu.memory_space<hbm>>) target_semaphore(%arg11 : memref<!tpu.dma_semaphore, #tpu.memory_space<semaphore_mem>>)
      %dma_wait3A_360 = arith.constant 0 : i32
      %dma_wait3A_361 = tpu.memref_slice %arg3[%add3A_241, %dma_wait3A_360] : memref<512x100000xf32, #tpu.memory_space<hbm>> -> memref<1x100000xf32, #tpu.memory_space<hbm>>
      %dma_wait3A_362 = tpu.memref_squeeze %dma_wait3A_361 : memref<1x100000xf32, #tpu.memory_space<hbm>> -> memref<100000xf32, #tpu.memory_space<hbm>>
      %dma_wait3A_363 = arith.constant 0 : i32
      %dma_wait3A_364 = tpu.memref_slice %arg3[%add3A_241, %dma_wait3A_363] : memref<512x100000xf32, #tpu.memory_space<hbm>> -> memref<1x100000xf32, #tpu.memory_space<hbm>>
      %dma_wait3A_365 = tpu.memref_squeeze %dma_wait3A_364 : memref<1x100000xf32, #tpu.memory_space<hbm>> -> memref<100000xf32, #tpu.memory_space<hbm>>
      tpu.wait_dma2 semaphore(%arg10 : memref<!tpu.dma_semaphore, #tpu.memory_space<semaphore_mem>>) src(%dma_wait3A_365 : memref<100000xf32, #tpu.memory_space<hbm>>) dst(%arg7 : memref<100000xf32, #tpu.memory_space<vmem>>)
      %jit3A_366 = arith.constant 64 : i32
      %div3A_367 = arith.divsi %add3A_241, %jit3A_366 : i32
      %sign3A_368 = arith.constant 0 : i32
      %sign3A_369 = arith.cmpi sgt, %add3A_241, %sign3A_368 : i32
      %sign3A_370 = arith.extui %sign3A_369 : i1 to i32
      %sign3A_371 = arith.constant 0 : i32
      %sign3A_372 = arith.cmpi slt, %add3A_241, %sign3A_371 : i32
      %sign3A_373 = arith.extui %sign3A_372 : i1 to i32
      %sign3A_374 = arith.subi %sign3A_370, %sign3A_373 : i32
      %sign3A_375 = arith.constant 0 : i32
      %sign3A_376 = arith.cmpi sgt, %jit3A_366, %sign3A_375 : i32
      %sign3A_377 = arith.extui %sign3A_376 : i1 to i32
      %sign3A_378 = arith.constant 0 : i32
      %sign3A_379 = arith.cmpi slt, %jit3A_366, %sign3A_378 : i32
      %sign3A_380 = arith.extui %sign3A_379 : i1 to i32
      %sign3A_381 = arith.subi %sign3A_377, %sign3A_380 : i32
      %ne3A_382 = arith.cmpi ne, %sign3A_374, %sign3A_381 : i32
      %rem3A_383 = arith.remsi %add3A_241, %jit3A_366 : i32
      %ne3A_384 = arith.constant 0 : i32
      %ne3A_385 = arith.cmpi ne, %rem3A_383, %ne3A_384 : i32
      %and3A_386 = arith.andi %ne3A_382, %ne3A_385 : i1
      %sub3A_387 = arith.constant 1 : i32
      %sub3A_388 = arith.subi %div3A_367, %sub3A_387 : i32
      %select_n3A_389 = arith.select %and3A_386, %sub3A_388, %div3A_367 : i32
      %jit3A_390 = arith.constant 64 : i32
      %eq3A_391 = arith.constant 0 : i32
      %eq3A_392 = arith.cmpi eq, %jit3A_390, %eq3A_391 : i32
      %jit3A_393 = arith.constant 1 : i32
      %select_n3A_394 = arith.select %eq3A_392, %jit3A_393, %jit3A_390 : i32
      %rem3A_395 = arith.remsi %add3A_241, %select_n3A_394 : i32
      %ne3A_396 = arith.constant 0 : i32
      %ne3A_397 = arith.cmpi ne, %rem3A_395, %ne3A_396 : i32
      %lt3A_398 = arith.constant 0 : i32
      %lt3A_399 = arith.cmpi slt, %rem3A_395, %lt3A_398 : i32
      %lt3A_400 = arith.constant 0 : i32
      %lt3A_401 = arith.cmpi slt, %select_n3A_394, %lt3A_400 : i32
      %ne3A_402 = arith.xori %lt3A_399, %lt3A_401 : i1
      %and3A_403 = arith.andi %ne3A_402, %ne3A_397 : i1
      %add3A_404 = arith.addi %rem3A_395, %select_n3A_394 : i32
      %select_n3A_405 = arith.select %and3A_403, %add3A_404, %rem3A_395 : i32
      %dma_wait3A_406 = arith.constant 1 : i32
      %dma_wait3A_407 = arith.constant 0 : i32
      %dma_wait3A_408 = tpu.memref_slice %arg5[%select_n3A_389, %dma_wait3A_406, %select_n3A_405, %dma_wait3A_407] : memref<8x2x64x4096xf32, #tpu.memory_space<hbm>> -> memref<1x1x1x4096xf32, #tpu.memory_space<hbm>>
      %dma_wait3A_409 = tpu.memref_squeeze %dma_wait3A_408 : memref<1x1x1x4096xf32, #tpu.memory_space<hbm>> -> memref<4096xf32, #tpu.memory_space<hbm>>
      %dma_wait3A_410 = arith.constant 0 : i32
      %dma_wait3A_411 = tpu.memref_slice %arg5[%select_n3A_389, %dma_wait3A_406, %select_n3A_405, %dma_wait3A_410] : memref<8x2x64x4096xf32, #tpu.memory_space<hbm>> -> memref<1x1x1x4096xf32, #tpu.memory_space<hbm>>
      %dma_wait3A_412 = tpu.memref_squeeze %dma_wait3A_411 : memref<1x1x1x4096xf32, #tpu.memory_space<hbm>> -> memref<4096xf32, #tpu.memory_space<hbm>>
      tpu.wait_dma2 semaphore(%arg12 : memref<!tpu.dma_semaphore, #tpu.memory_space<semaphore_mem>>) src(%arg9 : memref<4096xf32, #tpu.memory_space<vmem>>) dst(%dma_wait3A_412 : memref<4096xf32, #tpu.memory_space<hbm>>)
      %scan3A_413 = arith.constant 0 : i32
      %scan3A_414 = arith.constant 0 : i32
      %scan3A_415 = arith.constant 256 : i32
      %scan3A_416 = arith.addi %scan3A_414, %scan3A_415 : i32
      %scan3A_417 = arith.constant 4 : i32
      scf.for %scan3A_472 = %scan3A_414 to %scan3A_416 step %scan3A_417  : i32 {
        %mul3A_473 = arith.constant 16 : i32
        %mul3A_474 = arith.muli %scan3A_472, %mul3A_473 : i32
        %get3A = arith.index_cast %mul3A_474 : i32 to index
        %get3A_475 = tpu.vector_load %arg8[%get3A] {strides = array<i32>} : memref<4096xf32, #tpu.memory_space<vmem>>, vector<16xf32>,
        %get3A_476 = arith.index_cast %mul3A_474 : i32 to index
        %get3A_477 = tpu.vector_load %arg6[%get3A_476] {strides = array<i32>} : memref<4096xi32, #tpu.memory_space<vmem>>, vector<16xi32>,
        %gather3A = tpu.vector_load_idx %arg7[%get3A_477] : memref<100000xf32, #tpu.memory_space<vmem>>[vector<16xi32>], vector<16xf32>,
        %exp3A = math.exp %gather3A : vector<16xf32>
        %add3A_478 = arith.addf %get3A_475, %exp3A : vector<16xf32>
        %swap3A = arith.index_cast %mul3A_474 : i32 to index
        %swap3A_479 = tpu.vector_load %arg9[%swap3A] {strides = array<i32>} : memref<4096xf32, #tpu.memory_space<vmem>>, vector<16xf32>,
        tpu.vector_store %arg9[%swap3A], %add3A_478 {strides = array<i32>} : memref<4096xf32, #tpu.memory_space<vmem>>, vector<16xf32>,
        %scan3A_480 = arith.constant 1 : i32
        %scan3A_481 = arith.addi %scan3A_472, %scan3A_480 : i32
        %mul3A_482 = arith.constant 16 : i32
        %mul3A_483 = arith.muli %scan3A_481, %mul3A_482 : i32
        %get3A_484 = arith.index_cast %mul3A_483 : i32 to index
        %get3A_485 = tpu.vector_load %arg8[%get3A_484] {strides = array<i32>} : memref<4096xf32, #tpu.memory_space<vmem>>, vector<16xf32>,
        %get3A_486 = arith.index_cast %mul3A_483 : i32 to index
        %get3A_487 = tpu.vector_load %arg6[%get3A_486] {strides = array<i32>} : memref<4096xi32, #tpu.memory_space<vmem>>, vector<16xi32>,
        %gather3A_488 = tpu.vector_load_idx %arg7[%get3A_487] : memref<100000xf32, #tpu.memory_space<vmem>>[vector<16xi32>], vector<16xf32>,
        %exp3A_489 = math.exp %gather3A_488 : vector<16xf32>
        %add3A_490 = arith.addf %get3A_485, %exp3A_489 : vector<16xf32>
        %swap3A_491 = arith.index_cast %mul3A_483 : i32 to index
        %swap3A_492 = tpu.vector_load %arg9[%swap3A_491] {strides = array<i32>} : memref<4096xf32, #tpu.memory_space<vmem>>, vector<16xf32>,
        tpu.vector_store %arg9[%swap3A_491], %add3A_490 {strides = array<i32>} : memref<4096xf32, #tpu.memory_space<vmem>>, vector<16xf32>,
        %scan3A_493 = arith.constant 2 : i32
        %scan3A_494 = arith.addi %scan3A_472, %scan3A_493 : i32
        %mul3A_495 = arith.constant 16 : i32
        %mul3A_496 = arith.muli %scan3A_494, %mul3A_495 : i32
        %get3A_497 = arith.index_cast %mul3A_496 : i32 to index
        %get3A_498 = tpu.vector_load %arg8[%get3A_497] {strides = array<i32>} : memref<4096xf32, #tpu.memory_space<vmem>>, vector<16xf32>,
        %get3A_499 = arith.index_cast %mul3A_496 : i32 to index
        %get3A_500 = tpu.vector_load %arg6[%get3A_499] {strides = array<i32>} : memref<4096xi32, #tpu.memory_space<vmem>>, vector<16xi32>,
        %gather3A_501 = tpu.vector_load_idx %arg7[%get3A_500] : memref<100000xf32, #tpu.memory_space<vmem>>[vector<16xi32>], vector<16xf32>,
        %exp3A_502 = math.exp %gather3A_501 : vector<16xf32>
        %add3A_503 = arith.addf %get3A_498, %exp3A_502 : vector<16xf32>
        %swap3A_504 = arith.index_cast %mul3A_496 : i32 to index
        %swap3A_505 = tpu.vector_load %arg9[%swap3A_504] {strides = array<i32>} : memref<4096xf32, #tpu.memory_space<vmem>>, vector<16xf32>,
        tpu.vector_store %arg9[%swap3A_504], %add3A_503 {strides = array<i32>} : memref<4096xf32, #tpu.memory_space<vmem>>, vector<16xf32>,
        %scan3A_506 = arith.constant 3 : i32
        %scan3A_507 = arith.addi %scan3A_472, %scan3A_506 : i32
        %mul3A_508 = arith.constant 16 : i32
        %mul3A_509 = arith.muli %scan3A_507, %mul3A_508 : i32
        %get3A_510 = arith.index_cast %mul3A_509 : i32 to index
        %get3A_511 = tpu.vector_load %arg8[%get3A_510] {strides = array<i32>} : memref<4096xf32, #tpu.memory_space<vmem>>, vector<16xf32>,
        %get3A_512 = arith.index_cast %mul3A_509 : i32 to index
        %get3A_513 = tpu.vector_load %arg6[%get3A_512] {strides = array<i32>} : memref<4096xi32, #tpu.memory_space<vmem>>, vector<16xi32>,
        %gather3A_514 = tpu.vector_load_idx %arg7[%get3A_513] : memref<100000xf32, #tpu.memory_space<vmem>>[vector<16xi32>], vector<16xf32>,
        %exp3A_515 = math.exp %gather3A_514 : vector<16xf32>
        %add3A_516 = arith.addf %get3A_511, %exp3A_515 : vector<16xf32>
        %swap3A_517 = arith.index_cast %mul3A_509 : i32 to index
        %swap3A_518 = tpu.vector_load %arg9[%swap3A_517] {strides = array<i32>} : memref<4096xf32, #tpu.memory_space<vmem>>, vector<16xf32>,
        tpu.vector_store %arg9[%swap3A_517], %add3A_516 {strides = array<i32>} : memref<4096xf32, #tpu.memory_space<vmem>>, vector<16xf32>,
      }
      %scan3A_418 = arith.constant 256 : i32
      %dma_start3A_419 = arith.constant 0 : i32
      %dma_start3A_420 = tpu.memref_slice %arg2[%min3A, %dma_start3A_419] : memref<512x100000xf32, #tpu.memory_space<hbm>> -> memref<1x100000xf32, #tpu.memory_space<hbm>>
      %dma_start3A_421 = tpu.memref_squeeze %dma_start3A_420 : memref<1x100000xf32, #tpu.memory_space<hbm>> -> memref<100000xf32, #tpu.memory_space<hbm>>
      %dma_start3A_422 = arith.constant 0 : i32
      %dma_start3A_423 = tpu.memref_slice %arg2[%min3A, %dma_start3A_422] : memref<512x100000xf32, #tpu.memory_space<hbm>> -> memref<1x100000xf32, #tpu.memory_space<hbm>>
      %dma_start3A_424 = tpu.memref_squeeze %dma_start3A_423 : memref<1x100000xf32, #tpu.memory_space<hbm>> -> memref<100000xf32, #tpu.memory_space<hbm>>
      tpu.enqueue_dma source(%dma_start3A_424 : memref<100000xf32, #tpu.memory_space<hbm>>) target(%arg7 : memref<100000xf32, #tpu.memory_space<vmem>>) target_semaphore(%arg10 : memref<!tpu.dma_semaphore, #tpu.memory_space<semaphore_mem>>)
      %jit3A_425 = arith.constant 64 : i32
      %div3A_426 = arith.divsi %add3A_241, %jit3A_425 : i32
      %sign3A_427 = arith.constant 0 : i32
      %sign3A_428 = arith.cmpi sgt, %add3A_241, %sign3A_427 : i32
      %sign3A_429 = arith.extui %sign3A_428 : i1 to i32
      %sign3A_430 = arith.constant 0 : i32
      %sign3A_431 = arith.cmpi slt, %add3A_241, %sign3A_430 : i32
      %sign3A_432 = arith.extui %sign3A_431 : i1 to i32
      %sign3A_433 = arith.subi %sign3A_429, %sign3A_432 : i32
      %sign3A_434 = arith.constant 0 : i32
      %sign3A_435 = arith.cmpi sgt, %jit3A_425, %sign3A_434 : i32
      %sign3A_436 = arith.extui %sign3A_435 : i1 to i32
      %sign3A_437 = arith.constant 0 : i32
      %sign3A_438 = arith.cmpi slt, %jit3A_425, %sign3A_437 : i32
      %sign3A_439 = arith.extui %sign3A_438 : i1 to i32
      %sign3A_440 = arith.subi %sign3A_436, %sign3A_439 : i32
      %ne3A_441 = arith.cmpi ne, %sign3A_433, %sign3A_440 : i32
      %rem3A_442 = arith.remsi %add3A_241, %jit3A_425 : i32
      %ne3A_443 = arith.constant 0 : i32
      %ne3A_444 = arith.cmpi ne, %rem3A_442, %ne3A_443 : i32
      %and3A_445 = arith.andi %ne3A_441, %ne3A_444 : i1
      %sub3A_446 = arith.constant 1 : i32
      %sub3A_447 = arith.subi %div3A_426, %sub3A_446 : i32
      %select_n3A_448 = arith.select %and3A_445, %sub3A_447, %div3A_426 : i32
      %jit3A_449 = arith.constant 64 : i32
      %eq3A_450 = arith.constant 0 : i32
      %eq3A_451 = arith.cmpi eq, %jit3A_449, %eq3A_450 : i32
      %jit3A_452 = arith.constant 1 : i32
      %select_n3A_453 = arith.select %eq3A_451, %jit3A_452, %jit3A_449 : i32
      %rem3A_454 = arith.remsi %add3A_241, %select_n3A_453 : i32
      %ne3A_455 = arith.constant 0 : i32
      %ne3A_456 = arith.cmpi ne, %rem3A_454, %ne3A_455 : i32
      %lt3A_457 = arith.constant 0 : i32
      %lt3A_458 = arith.cmpi slt, %rem3A_454, %lt3A_457 : i32
      %lt3A_459 = arith.constant 0 : i32
      %lt3A_460 = arith.cmpi slt, %select_n3A_453, %lt3A_459 : i32
      %ne3A_461 = arith.xori %lt3A_458, %lt3A_460 : i1
      %and3A_462 = arith.andi %ne3A_461, %ne3A_456 : i1
      %add3A_463 = arith.addi %rem3A_454, %select_n3A_453 : i32
      %select_n3A_464 = arith.select %and3A_462, %add3A_463, %rem3A_454 : i32
      %dma_start3A_465 = arith.constant 1 : i32
      %dma_start3A_466 = arith.constant 0 : i32
      %dma_start3A_467 = tpu.memref_slice %arg5[%select_n3A_448, %dma_start3A_465, %select_n3A_464, %dma_start3A_466] : memref<8x2x64x4096xf32, #tpu.memory_space<hbm>> -> memref<1x1x1x4096xf32, #tpu.memory_space<hbm>>
      %dma_start3A_468 = tpu.memref_squeeze %dma_start3A_467 : memref<1x1x1x4096xf32, #tpu.memory_space<hbm>> -> memref<4096xf32, #tpu.memory_space<hbm>>
      %dma_start3A_469 = arith.constant 0 : i32
      %dma_start3A_470 = tpu.memref_slice %arg5[%select_n3A_448, %dma_start3A_465, %select_n3A_464, %dma_start3A_469] : memref<8x2x64x4096xf32, #tpu.memory_space<hbm>> -> memref<1x1x1x4096xf32, #tpu.memory_space<hbm>>
      %dma_start3A_471 = tpu.memref_squeeze %dma_start3A_470 : memref<1x1x1x4096xf32, #tpu.memory_space<hbm>> -> memref<4096xf32, #tpu.memory_space<hbm>>
      tpu.enqueue_dma source(%arg9 : memref<4096xf32, #tpu.memory_space<vmem>>) target(%dma_start3A_471 : memref<4096xf32, #tpu.memory_space<hbm>>) target_semaphore(%arg12 : memref<!tpu.dma_semaphore, #tpu.memory_space<semaphore_mem>>)
    }
    %scan3A_136 = arith.constant 16 : i32
    %add3A_137 = arith.constant 16 : i32
    %add3A_138 = arith.addi %mul3A_2, %add3A_137 : i32
    %sub3A_139 = arith.constant 1 : i32
    %sub3A_140 = arith.subi %add3A_138, %sub3A_139 : i32
    %dma_wait3A = arith.constant 0 : i32
    %dma_wait3A_141 = tpu.memref_slice %arg2[%sub3A_140, %dma_wait3A] : memref<512x100000xf32, #tpu.memory_space<hbm>> -> memref<1x100000xf32, #tpu.memory_space<hbm>>
    %dma_wait3A_142 = tpu.memref_squeeze %dma_wait3A_141 : memref<1x100000xf32, #tpu.memory_space<hbm>> -> memref<100000xf32, #tpu.memory_space<hbm>>
    %dma_wait3A_143 = arith.constant 0 : i32
    %dma_wait3A_144 = tpu.memref_slice %arg2[%sub3A_140, %dma_wait3A_143] : memref<512x100000xf32, #tpu.memory_space<hbm>> -> memref<1x100000xf32, #tpu.memory_space<hbm>>
    %dma_wait3A_145 = tpu.memref_squeeze %dma_wait3A_144 : memref<1x100000xf32, #tpu.memory_space<hbm>> -> memref<100000xf32, #tpu.memory_space<hbm>>
    tpu.wait_dma2 semaphore(%arg10 : memref<!tpu.dma_semaphore, #tpu.memory_space<semaphore_mem>>) src(%dma_wait3A_145 : memref<100000xf32, #tpu.memory_space<hbm>>) dst(%arg7 : memref<100000xf32, #tpu.memory_space<vmem>>)
    %jit3A_146 = arith.constant 64 : i32
    %div3A_147 = arith.divsi %mul3A_2, %jit3A_146 : i32
    %sign3A_148 = arith.constant 0 : i32
    %sign3A_149 = arith.cmpi sgt, %mul3A_2, %sign3A_148 : i32
    %sign3A_150 = arith.extui %sign3A_149 : i1 to i32
    %sign3A_151 = arith.constant 0 : i32
    %sign3A_152 = arith.cmpi slt, %mul3A_2, %sign3A_151 : i32
    %sign3A_153 = arith.extui %sign3A_152 : i1 to i32
    %sign3A_154 = arith.subi %sign3A_150, %sign3A_153 : i32
    %sign3A_155 = arith.constant 0 : i32
    %sign3A_156 = arith.cmpi sgt, %jit3A_146, %sign3A_155 : i32
    %sign3A_157 = arith.extui %sign3A_156 : i1 to i32
    %sign3A_158 = arith.constant 0 : i32
    %sign3A_159 = arith.cmpi slt, %jit3A_146, %sign3A_158 : i32
    %sign3A_160 = arith.extui %sign3A_159 : i1 to i32
    %sign3A_161 = arith.subi %sign3A_157, %sign3A_160 : i32
    %ne3A_162 = arith.cmpi ne, %sign3A_154, %sign3A_161 : i32
    %rem3A_163 = arith.remsi %mul3A_2, %jit3A_146 : i32
    %ne3A_164 = arith.constant 0 : i32
    %ne3A_165 = arith.cmpi ne, %rem3A_163, %ne3A_164 : i32
    %and3A_166 = arith.andi %ne3A_162, %ne3A_165 : i1
    %sub3A_167 = arith.constant 1 : i32
    %sub3A_168 = arith.subi %div3A_147, %sub3A_167 : i32
    %select_n3A_169 = arith.select %and3A_166, %sub3A_168, %div3A_147 : i32
    %jit3A_170 = arith.constant 64 : i32
    %eq3A_171 = arith.constant 0 : i32
    %eq3A_172 = arith.cmpi eq, %jit3A_170, %eq3A_171 : i32
    %jit3A_173 = arith.constant 1 : i32
    %select_n3A_174 = arith.select %eq3A_172, %jit3A_173, %jit3A_170 : i32
    %rem3A_175 = arith.remsi %mul3A_2, %select_n3A_174 : i32
    %ne3A_176 = arith.constant 0 : i32
    %ne3A_177 = arith.cmpi ne, %rem3A_175, %ne3A_176 : i32
    %lt3A_178 = arith.constant 0 : i32
    %lt3A_179 = arith.cmpi slt, %rem3A_175, %lt3A_178 : i32
    %lt3A_180 = arith.constant 0 : i32
    %lt3A_181 = arith.cmpi slt, %select_n3A_174, %lt3A_180 : i32
    %ne3A_182 = arith.xori %lt3A_179, %lt3A_181 : i1
    %and3A_183 = arith.andi %ne3A_182, %ne3A_177 : i1
    %add3A_184 = arith.addi %rem3A_175, %select_n3A_174 : i32
    %select_n3A_185 = arith.select %and3A_183, %add3A_184, %rem3A_175 : i32
    %dma_wait3A_186 = arith.constant 0 : i32
    %dma_wait3A_187 = arith.constant 0 : i32
    %dma_wait3A_188 = tpu.memref_slice %arg5[%select_n3A_169, %dma_wait3A_186, %select_n3A_185, %dma_wait3A_187] : memref<8x2x64x4096xf32, #tpu.memory_space<hbm>> -> memref<1x1x1x4096xf32, #tpu.memory_space<hbm>>
    %dma_wait3A_189 = tpu.memref_squeeze %dma_wait3A_188 : memref<1x1x1x4096xf32, #tpu.memory_space<hbm>> -> memref<4096xf32, #tpu.memory_space<hbm>>
    %dma_wait3A_190 = arith.constant 0 : i32
    %dma_wait3A_191 = tpu.memref_slice %arg5[%select_n3A_169, %dma_wait3A_186, %select_n3A_185, %dma_wait3A_190] : memref<8x2x64x4096xf32, #tpu.memory_space<hbm>> -> memref<1x1x1x4096xf32, #tpu.memory_space<hbm>>
    %dma_wait3A_192 = tpu.memref_squeeze %dma_wait3A_191 : memref<1x1x1x4096xf32, #tpu.memory_space<hbm>> -> memref<4096xf32, #tpu.memory_space<hbm>>
    tpu.wait_dma2 semaphore(%arg11 : memref<!tpu.dma_semaphore, #tpu.memory_space<semaphore_mem>>) src(%arg8 : memref<4096xf32, #tpu.memory_space<vmem>>) dst(%dma_wait3A_192 : memref<4096xf32, #tpu.memory_space<hbm>>)
    %jit3A_193 = arith.constant 64 : i32
    %div3A_194 = arith.divsi %mul3A_2, %jit3A_193 : i32
    %sign3A_195 = arith.constant 0 : i32
    %sign3A_196 = arith.cmpi sgt, %mul3A_2, %sign3A_195 : i32
    %sign3A_197 = arith.extui %sign3A_196 : i1 to i32
    %sign3A_198 = arith.constant 0 : i32
    %sign3A_199 = arith.cmpi slt, %mul3A_2, %sign3A_198 : i32
    %sign3A_200 = arith.extui %sign3A_199 : i1 to i32
    %sign3A_201 = arith.subi %sign3A_197, %sign3A_200 : i32
    %sign3A_202 = arith.constant 0 : i32
    %sign3A_203 = arith.cmpi sgt, %jit3A_193, %sign3A_202 : i32
    %sign3A_204 = arith.extui %sign3A_203 : i1 to i32
    %sign3A_205 = arith.constant 0 : i32
    %sign3A_206 = arith.cmpi slt, %jit3A_193, %sign3A_205 : i32
    %sign3A_207 = arith.extui %sign3A_206 : i1 to i32
    %sign3A_208 = arith.subi %sign3A_204, %sign3A_207 : i32
    %ne3A_209 = arith.cmpi ne, %sign3A_201, %sign3A_208 : i32
    %rem3A_210 = arith.remsi %mul3A_2, %jit3A_193 : i32
    %ne3A_211 = arith.constant 0 : i32
    %ne3A_212 = arith.cmpi ne, %rem3A_210, %ne3A_211 : i32
    %and3A_213 = arith.andi %ne3A_209, %ne3A_212 : i1
    %sub3A_214 = arith.constant 1 : i32
    %sub3A_215 = arith.subi %div3A_194, %sub3A_214 : i32
    %select_n3A_216 = arith.select %and3A_213, %sub3A_215, %div3A_194 : i32
    %jit3A_217 = arith.constant 64 : i32
    %eq3A_218 = arith.constant 0 : i32
    %eq3A_219 = arith.cmpi eq, %jit3A_217, %eq3A_218 : i32
    %jit3A_220 = arith.constant 1 : i32
    %select_n3A_221 = arith.select %eq3A_219, %jit3A_220, %jit3A_217 : i32
    %rem3A_222 = arith.remsi %mul3A_2, %select_n3A_221 : i32
    %ne3A_223 = arith.constant 0 : i32
    %ne3A_224 = arith.cmpi ne, %rem3A_222, %ne3A_223 : i32
    %lt3A_225 = arith.constant 0 : i32
    %lt3A_226 = arith.cmpi slt, %rem3A_222, %lt3A_225 : i32
    %lt3A_227 = arith.constant 0 : i32
    %lt3A_228 = arith.cmpi slt, %select_n3A_221, %lt3A_227 : i32
    %ne3A_229 = arith.xori %lt3A_226, %lt3A_228 : i1
    %and3A_230 = arith.andi %ne3A_229, %ne3A_224 : i1
    %add3A_231 = arith.addi %rem3A_222, %select_n3A_221 : i32
    %select_n3A_232 = arith.select %and3A_230, %add3A_231, %rem3A_222 : i32
    %dma_wait3A_233 = arith.constant 1 : i32
    %dma_wait3A_234 = arith.constant 0 : i32
    %dma_wait3A_235 = tpu.memref_slice %arg5[%select_n3A_216, %dma_wait3A_233, %select_n3A_232, %dma_wait3A_234] : memref<8x2x64x4096xf32, #tpu.memory_space<hbm>> -> memref<1x1x1x4096xf32, #tpu.memory_space<hbm>>
    %dma_wait3A_236 = tpu.memref_squeeze %dma_wait3A_235 : memref<1x1x1x4096xf32, #tpu.memory_space<hbm>> -> memref<4096xf32, #tpu.memory_space<hbm>>
    %dma_wait3A_237 = arith.constant 0 : i32
    %dma_wait3A_238 = tpu.memref_slice %arg5[%select_n3A_216, %dma_wait3A_233, %select_n3A_232, %dma_wait3A_237] : memref<8x2x64x4096xf32, #tpu.memory_space<hbm>> -> memref<1x1x1x4096xf32, #tpu.memory_space<hbm>>
    %dma_wait3A_239 = tpu.memref_squeeze %dma_wait3A_238 : memref<1x1x1x4096xf32, #tpu.memory_space<hbm>> -> memref<4096xf32, #tpu.memory_space<hbm>>
    tpu.wait_dma2 semaphore(%arg12 : memref<!tpu.dma_semaphore, #tpu.memory_space<semaphore_mem>>) src(%arg9 : memref<4096xf32, #tpu.memory_space<vmem>>) dst(%dma_wait3A_239 : memref<4096xf32, #tpu.memory_space<hbm>>)
    return
  }
}

</mosaic_0001>

<sc_bundles>
// kernel: kernel.3.cloned.1.call-start
scs
__scs_entry_jumppad:
0x0: {  	(pc) =	sbr.rel $0x88, $3  }
0x1: {  	(tag) =	ssettag $0x0;
	lr =	simm.s32 $0x1  }
0x2: {  	[smem:$0x3F9E] =	sst lr;
	_ =	strace $0xD0000000  }
0x3: {  	_ = 	snop  }
0x4: {  	_ = 	snop  }
0x5: {  	_ = 	snop  }
0x6: {  	_ = 	snop  }
0x7: {  	_ = 	snop  }
__scs_overlays_trampoline_lowered:
0x8: {  	[smem:$0x3FAD] =	sst s0  }
0x9: {  	[smem:$0x3FAE] =	sst s1  }
0xa: {  	[smem:$0x3FAF] =	sst s2  }
0xb: {  	[smem:$0x3FB0] =	sst s3  }
0xc: {  	[smem:$0x3FB1] =	sst s4  }
0xd: {  	[smem:$0x3FB2] =	sst s5  }
0xe: {  	[smem:$0x3FB3] =	sst s6  }
0xf: {  	[smem:$0x3FB4] =	sst s7  }
0x10: {  	[smem:$0x3FB5] =	sst s8  }
0x11: {  	[smem:$0x3FB6] =	sst s9;
	s0 =	simm.s32 @!p0 $0x0  }
0x12: {  	s1 =	sld [smem:$0x3F9C];
	s0 =	simm.s32 @p0 $0x1  }
0x13: {  	[smem:$0x3FB7] =	sst s0;
	s0 =	simm.s32 @!p1 $0x0  }
0x14: {  	s2 =	sld [smem:$0x3F9B];
	s0 =	simm.s32 @p1 $0x1  }
0x15: {  	[smem:$0x3FB8] =	sst s0;
	s0 =	simm.s32 @!p2 $0x0  }
0x16: {  	s3 =	sld [smem:$0x3FDB];
	s0 =	simm.s32 @p2 $0x1  }
0x17: {  	s4 =	simm.s32 $0x1BF5;
	[smem:$0x3FBA] =	sst s0  }
0x18: {  	s0 =	sld [smem:$0x3F9D];
	_ =	swait.ge [sflag:s4], $0x0  }
0x19: {  	s7 =	sld [smem:$0x3F9E]  }
0x1a: {  	s8 =	sadd.s32 $0xFFFFE003, lr  }
0x1b: {  	s9 =	sadd.s32 $0xFFFFFEF7, lr;
	s5 =	simm.s32 $0xFFFFFFFF;
	p2 =	slt.u32 s8, $0xFFFFF086  }
0x1c: {  	p1 =	slt.u32 s9, $0xF7A;
	s5 =	simm.s32 @!p2 $0x0  }
0x1d: {  	s5 =	simm.s32 @p1 $0x1;
	p0 =	seq.s32 s7, s2  }
0x1e: {  	s7 =	smul.u32 @!p0 $0xF7A, s2;
	p2 =	seq.s32 @!p0 s5, $0x0  }
0x1f: {  	s9 =	smul.u32 $0xF7A, s1;
	s8 =	simm.s32 @!p0 $0x1BF5;
	p2 =	por !p2, p0  }
0x20: {  	[sflag:s8] =	ssyncset.s32 @!p0 $0xFFFFF086;
	s6 =	sadd.s32 @!p0 s3, s7;
	s7 =	simm.s32 @!p0 $0x108  }
0x21: {  	s3 =	sadd.s32 s3, s9;
	s6 =	sadd.s32 @!p0 $0x88, s6;
	s7 =	simm.s32 @p2 $0x1082  }
0x22: {  	[simem:s7], [sflag:s8] =	dma.local @!p0 [hbm:s6], $0xF7A  }
0x23: {  	s9 =	sor.u32 $0xD0000000, s2;
	s6 =	simm.s32 $0x108;
	_ =	swait.ge @!p0 [sflag:s8], $0x0  }
0x24: {  	s3 =	sadd.s32 $0x88, s3;
	s6 =	simm.s32 @!p1 $0x1082;
	[sflag:s4] =	ssyncset.s32 $0xFFFFF086  }
0x25: {  	[simem:s6], [sflag:s4] =	dma.local [hbm:s3], $0xF7A  }
0x26: {  	[smem:$0x3F9E] =	sst s1;
	(tag) =	ssettag s2;
	_ =	strace s9  }
0x27: {  	s1 =	sld [smem:$0x3FAE]  }
0x28: {  	s2 =	sld [smem:$0x3FAF]  }
0x29: {  	s4 =	sld [smem:$0x3FB1]  }
0x2a: {  	p0 =	seq.s32 s5, $0x0;
	s5 =	sld [smem:$0x3FB2]  }
0x2b: {  	s6 =	sld [smem:$0x3FB3]  }
0x2c: {  	s7 =	sld [smem:$0x3FB4]  }
0x2d: {  	s3 =	simm.s32 $0x108;
	s8 =	sld [smem:$0x3FB5]  }
0x2e: {  	s3 =	simm.s32 @!p0 $0x1082;
	s9 =	sld [smem:$0x3FB6]  }
0x2f: {  	lr =	sadd.s32 s0, s3;
	s0 =	sld [smem:$0x3FAD]  }
0x30: {  	s3 =	sld [smem:$0x3FB0]  }
0x31: {  	[smem:$0x3FB9] =	sst s10  }
0x32: {  	s10 =	sld [smem:$0x3FB7];
	_ =	sdelay $0x3  }
0x33: {  	p0 =	seq.s32 s10, $0x1;
	s10 =	sld [smem:$0x3FB9];
	_ =	sdelay $0x3  }
0x34: {  	[smem:$0x3FB9] =	sst s10  }
0x35: {  	s10 =	sld [smem:$0x3FB8];
	_ =	sdelay $0x3  }
0x36: {  	p1 =	seq.s32 s10, $0x1;
	s10 =	sld [smem:$0x3FB9];
	_ =	sdelay $0x3  }
0x37: {  	[smem:$0x3FB9] =	sst s10  }
0x38: {  	s10 =	sld [smem:$0x3FBA]  }
0x39: {  	_ = 	snop;
	(pc) =	sbr.ind lr, $3  }
0x3a: {  	_ = 	snop  }
0x3b: {  	_ = 	snop  }
0x3c: {  	p2 =	seq.s32 s10, $0x1;
	s10 =	sld [smem:$0x3FB9]  }
0x3d: {  	_ =	shalt  }
0x3e: {  	_ =	shalt  }
0x3f: {  	_ =	shalt  }
0x40: {  	_ =	shalt  }
0x41: {  	_ =	shalt  }
0x42: {  	_ =	shalt  }
0x43: {  	_ =	shalt  }
0x44: {  	_ =	shalt  }
0x45: {  	_ =	shalt  }
0x46: {  	_ =	shalt  }
0x47: {  	_ =	shalt  }
0x48: {  	_ =	shalt  }
0x49: {  	_ =	shalt  }
0x4a: {  	_ =	shalt  }
0x4b: {  	_ =	shalt  }
0x4c: {  	_ =	shalt  }
0x4d: {  	_ =	shalt  }
0x4e: {  	_ =	shalt  }
0x4f: {  	_ =	shalt  }
0x50: {  	_ =	shalt  }
0x51: {  	_ =	shalt  }
0x52: {  	_ =	shalt  }
0x53: {  	_ =	shalt  }
0x54: {  	_ =	shalt  }
0x55: {  	_ =	shalt  }
0x56: {  	_ =	shalt  }
0x57: {  	_ =	shalt  }
0x58: {  	_ =	shalt  }
0x59: {  	_ =	shalt  }
0x5a: {  	_ =	shalt  }
0x5b: {  	_ =	shalt  }
0x5c: {  	_ =	shalt  }
0x5d: {  	_ =	shalt  }
0x5e: {  	_ =	shalt  }
0x5f: {  	_ =	shalt  }
0x60: {  	_ =	shalt  }
0x61: {  	_ =	shalt  }
0x62: {  	_ =	shalt  }
0x63: {  	_ =	shalt  }
0x64: {  	_ =	shalt  }
0x65: {  	_ =	shalt  }
0x66: {  	_ =	shalt  }
0x67: {  	_ =	shalt  }
0x68: {  	_ =	shalt  }
0x69: {  	_ =	shalt  }
0x6a: {  	_ =	shalt  }
0x6b: {  	_ =	shalt  }
0x6c: {  	_ =	shalt  }
0x6d: {  	_ =	shalt  }
0x6e: {  	_ =	shalt  }
0x6f: {  	_ =	shalt  }
0x70: {  	_ =	shalt  }
0x71: {  	_ =	shalt  }
0x72: {  	_ =	shalt  }
0x73: {  	_ =	shalt  }
0x74: {  	_ =	shalt  }
0x75: {  	_ =	shalt  }
0x76: {  	_ =	shalt  }
0x77: {  	_ =	shalt  }
0x78: {  	_ =	shalt  }
0x79: {  	_ =	shalt  }
0x7a: {  	_ =	shalt  }
0x7b: {  	_ =	shalt  }
0x7c: {  	_ =	shalt  }
0x7d: {  	_ =	shalt  }
0x7e: {  	_ =	shalt  }
0x7f: {  	_ =	shalt  }
0x80: {  	_ =	shalt  }
0x81: {  	_ =	shalt  }
0x82: {  	_ =	shalt  }
0x83: {  	_ =	shalt  }
0x84: {  	_ =	shalt  }
0x85: {  	_ =	shalt  }
0x86: {  	_ =	shalt  }
0x87: {  	_ =	shalt  }
.Lfunc_end0:
.L_simem_size_0:
called_computation_lowered:
.L_overlay_start_0:
0x88: {  	s2 =	sld [smem:$0x3FD9]  }
0x89: {  	s3 =	sld [smem:$0x3FFE];
	_ =	sdelay $0x1  }
0x8a: {  	s1 =	srdreg.scid  }
0x8b: {  	s0 =	sand.u32 $0x1, s1  }
0x8c: {  	s18 =	sshll.u32 s0, $0xA;
	s2 =	sadd.s32 s3, s2  }
0x8d: {  	s2 =	sadd.s32 s2, s18  }
0x8e: {  	[smem:$0x3FC5] =	sst s2  }
0x8f: {  	_ = 	snop  }
0x90: {  	s2 =	sld [smem:$0x3FC9]  }
0x91: {  	s19 =	sld [smem:$0x3FC8]  }
0x92: {  	s4 =	sld [smem:$0x3FC7]  }
0x93: {  	s5 =	sld [smem:$0x3FD0];
	(tm) =	ssettm $0x1  }
0x94: {  	s6 =	sld [smem:$0x3FFB];
	_ =	sdelay $0x3  }
0x95: {  	_ =	strace s6  }
0x96: {  	s6 =	sld [smem:$0x3FFC];
	_ =	sdelay $0x3  }
0x97: {  	_ =	strace s6  }
0x98: {  	s6 =	sld [smem:$0x3FFD];
	_ =	sdelay $0x3  }
0x99: {  	_ =	strace s6  }
0x9a: {  	_ =	strace $0x8FFFFFFF  }
0x9b: {  	s20 =	sld [smem:$0x3FDB];
	_ =	sdelay $0x1  }
0x9c: {  	s7 =	simm.s32 $_scs_section_size  }
0x9d: {  	s8 =	simm.s32 $_size__tile_overlayer_lowered;
	s9 =	simm.s32 $_tile_overlayer_lowered  }
0x9e: {  	s23 =	simm.s32 $0x1BFF;
	s22 =	sshll.u32 s9, $0x1;
	s6 =	sadd.s32 s7, s20  }
0x9f: {  	s10 =	simm.s32 $0x0;
	s21 =	sshll.u32 s8, $0x1;
	s8 =	sadd.s32 s22, s6  }
0xa0: {  	[timem:s10], [sflag:s23] =	dma.local [hbm:s8], s21  }
0xa1: {  	_ =	swait.ge [sflag:s23], s21  }
0xa2: {  	s7 =	ssub.s32 $0x0, s21;
	[sflag:s23] =	ssyncset.done $0x0  }
0xa3: {  	[sflag:s23] =	ssyncadd.s32 s7;
	_ =	sdelay $0x1  }
0xa4: {  	s24 =	simm.s32 $0x1B8B  }
0xa5: {  	_ =	swait.ge [sflag:s24], $0x1  }
0xa6: {  	[sflag:s24] =	ssyncset.done $0x0  }
0xa7: {  	s25 =	simm.s32 $0x1B8E;
	[sflag:s24] =	ssyncadd.s32 $0xFFFFFFFF  }
0xa8: {  	s26 =	simm.s32 $execute0_lowered;
	[smem:$0x3FD2] =	sst s25  }
0xa9: {  	s7 =	sshll.u32 s26, $0x1;
	_ =	strace $0x80000046;
	[dreg:$0x1] =	wrdreg $0xFFFFFFFF  }
0xaa: {  	s28 =	simm.s32 $_size_execute0_lowered;
	s6 =	sadd.s32 s6, s7;
	[dreg:$0x0] =	wrdreg $0x0  }
0xab: {  	s7 =	sshll.u32 s28, $0x1;
	[dreg:$0x2] =	wrdreg s6  }
0xac: {  	[dreg:$0x3] =	wrdreg s7  }
0xad: {  	[dreg:$0x4] =	wrdreg $0xC0  }
0xae: {  	_ =	task [dreg:s10], $0x5FFFF  }
0xaf: {  	[dreg:$0x1] =	wrdreg $0xFFFFFFFF  }
0xb0: {  	[dreg:$0x0] =	wrdreg $0x60  }
0xb1: {  	[dreg:$0x2] =	wrdreg s19  }
0xb2: {  	[dreg:$0x3] =	wrdreg s4  }
0xb3: {  	[dreg:$0x4] =	wrdreg s2  }
0xb4: {  	[dreg:$0x5] =	wrdreg s5  }
0xb5: {  	[dreg:$0x6] =	wrdreg $0x9  }
0xb6: {  	_ =	task.clear_ibuf [dreg:s10], $0x7FFFF;
	_ =	strace $0x90000046  }
0xb7: {  	s29 =	simm.s32 $0x9;
	_ =	strace $0x80000048  }
0xb8: {  	_ =	swait.ge [sflag:s29], $0x1  }
0xb9: {  	[sflag:s29] =	ssyncadd.s32 $0xFFFFFFFF  }
0xba: {  	_ =	strace $0x90000048  }
0xbb: {  	_ =	sfence  }
0xbc: {  	s30 =	sld [smem:$0x0];
	_ =	sdelay $0x2  }
0xbd: {  	s31 =	sshll.u32 s1, $0xD;
	s1 =	sshrl.u32 s1, $0x2  }
0xbe: {  	s3 =	sand.u32 $0x4000, s31;
	s1 =	sadd.s32 s1, s30  }
0xbf: {  	s0 =	sor.u32 s3, s0;
	s1 =	sshll.u32 s1, $0x11  }
0xc0: {  	s0 =	sor.u32 s1, s0  }
0xc1: {  	s0 =	sadd.s32 $0x8F2B, s0  }
0xc2: {  	[sflag:s0] =	ssyncadd.remote.s32 $0x1  }
0xc3: {  	_ =	sfence.sel $0xFFFF  }
0xc4: {  	[dreg:$0x0] =	wrdreg $0xFFFFFFFF;
	(pc) =	sbr.abs _section_cstart, $3  }
0xc5: {  	[dreg:$0x1] =	wrdreg $0xFFFFFFFF  }
0xc6: {  	_ =	task.clear_ibuf [dreg:s10], $0x2FFFF;
	_ =	strace $0x9FFFFFFF  }
0xc7: {  	(tm) =	ssettm $0x7FFFFFFF  }
tec
execute0_lowered:
.L_overlay_start_1:
0x0: {  	(tag) =	ssettag $0x1  }
0x1: {  	s1 =	rddreg [dreg:$0x0]  }
0x2: {  	s2 =	rddreg [dreg:$0x1]  }
0x3: {  	s3 =	rddreg [dreg:$0x2]  }
0x4: {  	s4 =	rddreg [dreg:$0x3];
	s6 =	simm.s32 $0x0;
	s0 =	srdreg.scid  }
0x5: {  	s5 =	stileid.u32;
	s15 =	simm.s32 $0x4;
	s16 =	simm.s32 $0x80  }
0x6: {  	s17 =	simm.s32 $0x400;
	s18 =	simm.s32 $0x1000;
	s19 =	simm.s32 $0x19700  }
0x7: {  	s20 =	simm.s32 $0x1A700;
	s21 =	simm.s32 $0x1;
	s22 =	simm.s32 $0x2  }
0x8: {  	s23 =	simm.s32 $0x3;
	s24 =	simm.s32 $0x0;
	[smem:$0x7FF] =	sst s6  }
0x9: {  	s0 =	sand.u32 $0x1, s0;
	s7 =	sshll.u32 s5, $0x5;
	s8 =	sshll.u32 s5, $0xF  }
0xa: {  	s9 =	ssub.s32 $0x2, s0;
	s0 =	sshll.u32 s0, $0x4;
	_ =	strace $0x80000047  }
0xb: {  	s8 =	sand.u32 $0x70000, s8;
	s10 =	sshrl.u32 s9, $0x1;
	s7 =	sor.u32 s0, s7  }
0xc: {  	s0 =	sshrl.u32 s7, $0x3;
	s11 =	sshll.u32 s7, $0x9;
	s14 =	ssub.s32 s9, s10  }
0xd: {  	s9 =	sadd.s32 $0x8000, s4;
	s0 =	smul.u32 $0x18700, s0;
	s11 =	sand.u32 $0x6000, s11  }
0xe: {  	s13 =	sor.u32 $0xF, s7;
	s14 =	smax.u32 s14, $0x1;
	s12 =	sor.u32 s8, s11  }
0xf: {  	s10 =	sadd.s32 s1, s0;
	s11 =	sadd.s32 s4, s12;
	s12 =	sadd.s32 s12, s9  }
.LBB2_1:
0x10: {  	[tilespmem:s6], [sflag:$0x4] =	stream.linear.gather [hbm4b:s3+s6], $0x1000, $0x38;
	[tilespmem:$0x1B700] =	vst v63  }
0x11: {  	_ =	swait.ge [sflag:s15], $0x1000  }
0x12: {  	[sflag:s15] =	ssyncset.done $0x0  }
0x13: {  	[sflag:s15] =	ssyncadd.s32 $0xFFFFF000  }
0x14: {  	[tilespmem:s18], [sflag:$0x1] =	stream.strided.gather [hbm4b:s10+s16], $0x18700, s17, s16, $0x38;
	[tilespmem:$0x1B700] =	vst v63  }
0x15: {  	_ = 	snop  }
0x16: {  	[hbm4b:s11+s16] =	stream.strided.scatter [tilespmem:s19], [sflag:$0x2], $0x1000, s17, s16, $0x38;
	[tilespmem:$0x1B700] =	vst v63  }
0x17: {  	s25 =	simm.s32 $0x0  }
0x18: {  	[hbm4b:s12+s16] =	stream.strided.scatter [tilespmem:s20], [sflag:$0x3], $0x1000, s17, s16, $0x38;
	[tilespmem:$0x1B700] =	vst v63  }
.LBB2_2:
0x19: {  	s26 =	sor.u32 s7, s25;
	_ =	swait.ge [sflag:s21], $0x18700  }
0x1a: {  	[sflag:s21] =	ssyncset.done $0x0;
	s0 =	sshll.u32 s26, $0x9;
	s28 =	sshll.u32 s26, $0x4  }
0x1b: {  	[sflag:s21] =	ssyncadd.s32 $0xFFFE7900;
	s0 =	sand.u32 $0x7000, s0;
	s28 =	sand.u32 $0x70, s28  }
0x1c: {  	s29 =	simm.s32 $0xFFFFFFFC;
	s0 =	sor.u32 s28, s0;
	_ =	swait.ge [sflag:s22], $0x1000  }
0x1d: {  	s30 =	simm.s32 $0x19720;
	s28 =	sor.u32 s8, s0;
	[sflag:s22] =	ssyncset.done $0x0  }
0x1e: {  	s31 =	simm.s32 $0x20;
	s0 =	sadd.s32 s4, s28;
	[sflag:s22] =	ssyncadd.s32 $0xFFFFF000  }
.LBB2_3:
0x1f: {  	v0 =	vld [tilespmem:s31+$0xFFFFFFE0];
	_ =	sdelay $0x7  }
0x20: {  	v0 =	vld.idx.msk [tilespmem:v0+s18+$0x0], $0xffff;
	_ =	sdelay $0x4  }
0x21: {  	[tilespmem:s30+$0xFFFFFFE0] =	vst v0  }
0x22: {  	v0 =	vld [tilespmem:s31+$0xFFFFFFF0];
	_ =	sdelay $0x7  }
0x23: {  	v0 =	vld.idx.msk [tilespmem:v0+s18+$0x0], $0xffff;
	_ =	sdelay $0x4  }
0x24: {  	[tilespmem:s30+$0xFFFFFFF0] =	vst v0  }
0x25: {  	v0 =	vld [tilespmem:s31+$0x0];
	_ =	sdelay $0x7  }
0x26: {  	v0 =	vld.idx.msk [tilespmem:v0+s18+$0x0], $0xffff;
	_ =	sdelay $0x4  }
0x27: {  	[tilespmem:s30+$0x0] =	vst v0  }
0x28: {  	v0 =	vld [tilespmem:s31+$0x10];
	_ =	sdelay $0x6  }
0x29: {  	s29 =	sadd.s32 $0x4, s29  }
0x2a: {  	p0 =	slt.u32 s29, $0xFC;
	v0 =	vld.idx.msk [tilespmem:v0+s18+$0x0], $0xffff  }
.Ltmp0:
0x2b: {  	_ = 	snop;
	(pc) =	sbr.rel @p0 .LBB2_3-.Ltmp0, $2  }
0x2c: {  	_ =	sdelay $0x2  }
0x2d: {  	s31 =	sadd.s32 $0x40, s31;
	[tilespmem:s30+$0x10] =	vst v0;
	s30 =	sadd.s32 $0x40, s30  }
0x2e: {  	s29 =	sshrl.u32 s26, $0x3  }
0x2f: {  	s30 =	sshll.u32 s25, $0x7;
	s29 =	smul.u32 $0xC3800, s29  }
0x30: {  	s30 =	sand.u32 $0x380, s30  }
0x31: {  	s29 =	sor.u32 s30, s29  }
0x32: {  	s29 =	sshrl.u32 s29, $0x3  }
0x33: {  	s29 =	sadd.s32 s2, s29  }
0x34: {  	[tilespmem:s18], [sflag:$0x1] =	stream.strided.gather [hbm4b:s29+s16], $0x18700, s17, s16, $0x38;
	[tilespmem:$0x1B700] =	vst v63  }
0x35: {  	_ = 	snop  }
0x36: {  	[hbm4b:s0+s16] =	stream.strided.scatter [tilespmem:s19], [sflag:$0x2], $0x1000, s17, s16, $0x38;
	[tilespmem:$0x1B700] =	vst v63  }
0x37: {  	_ =	swait.ge [sflag:s21], $0x18700  }
0x38: {  	[sflag:s21] =	ssyncset.done $0x0  }
0x39: {  	[sflag:s21] =	ssyncadd.s32 $0xFFFE7900  }
0x3a: {  	s28 =	sadd.s32 s28, s9;
	_ =	swait.ge [sflag:s23], $0x1000  }
0x3b: {  	s31 =	simm.s32 $0x20;
	s30 =	simm.s32 $0x1A720;
	[sflag:s23] =	ssyncset.done $0x0  }
0x3c: {  	s29 =	simm.s32 $0xFFFFFFFC;
	s0 =	simm.s32 $0x19720;
	[sflag:s23] =	ssyncadd.s32 $0xFFFFF000  }
.LBB2_5:
0x3d: {  	v0 =	vld [tilespmem:s31+$0xFFFFFFE0];
	_ =	sdelay $0x7  }
0x3e: {  	v0 =	vld.idx.msk [tilespmem:v0+s18+$0x0], $0xffff;
	_ =	sdelay $0x4  }
0x3f: {  	v0 =	vmul.f32 $1.442695020e+00, v0;
	_ =	sdelay $0x1  }
0x40: {  	(erf) = vpow2.f32 v0;
	_ =	sdelay $0x4  }
0x41: {  	v57 =	vld [tilespmem:s0+$0xFFFFFFE0];
	_ =	sdelay $0x3  }
0x42: {  	v1 =	vpop (erf)  }
0x43: {  	v0 =	vadd.f32 v1, v57;
	_ =	sdelay $0x1  }
0x44: {  	[tilespmem:s30+$0xFFFFFFE0] =	vst v0  }
0x45: {  	v0 =	vld [tilespmem:s31+$0xFFFFFFF0];
	_ =	sdelay $0x7  }
0x46: {  	v0 =	vld.idx.msk [tilespmem:v0+s18+$0x0], $0xffff;
	_ =	sdelay $0x4  }
0x47: {  	v0 =	vmul.f32 $1.442695020e+00, v0;
	_ =	sdelay $0x1  }
0x48: {  	(erf) = vpow2.f32 v0;
	_ =	sdelay $0x4  }
0x49: {  	v58 =	vld [tilespmem:s0+$0xFFFFFFF0];
	_ =	sdelay $0x3  }
0x4a: {  	v59 =	vpop (erf)  }
0x4b: {  	v0 =	vadd.f32 v59, v58;
	_ =	sdelay $0x1  }
0x4c: {  	[tilespmem:s30+$0xFFFFFFF0] =	vst v0  }
0x4d: {  	v0 =	vld [tilespmem:s31+$0x0];
	_ =	sdelay $0x7  }
0x4e: {  	v0 =	vld.idx.msk [tilespmem:v0+s18+$0x0], $0xffff;
	_ =	sdelay $0x4  }
0x4f: {  	v0 =	vmul.f32 $1.442695020e+00, v0;
	_ =	sdelay $0x1  }
0x50: {  	(erf) = vpow2.f32 v0;
	_ =	sdelay $0x4  }
0x51: {  	v60 =	vld [tilespmem:s0+$0x0];
	_ =	sdelay $0x3  }
0x52: {  	v61 =	vpop (erf)  }
0x53: {  	v0 =	vadd.f32 v61, v60;
	_ =	sdelay $0x1  }
0x54: {  	[tilespmem:s30+$0x0] =	vst v0  }
0x55: {  	v0 =	vld [tilespmem:s31+$0x10];
	_ =	sdelay $0x7  }
0x56: {  	v0 =	vld.idx.msk [tilespmem:v0+s18+$0x0], $0xffff;
	_ =	sdelay $0x4  }
0x57: {  	v0 =	vmul.f32 $1.442695020e+00, v0;
	_ =	sdelay $0x1  }
0x58: {  	(erf) = vpow2.f32 v0;
	_ =	sdelay $0x4  }
0x59: {  	v62 =	vld [tilespmem:s0+$0x10]  }
0x5a: {  	s29 =	sadd.s32 $0x4, s29  }
0x5b: {  	p0 =	slt.u32 s29, $0xFC  }
.Ltmp1:
0x5c: {  	_ = 	snop;
	(pc) =	sbr.rel @p0 .LBB2_5-.Ltmp1, $3  }
0x5d: {  	v63 =	vpop (erf)  }
0x5e: {  	v0 =	vadd.f32 v63, v62;
	_ =	sdelay $0x1  }
0x5f: {  	s31 =	sadd.s32 $0x40, s31;
	s0 =	sadd.s32 $0x40, s0;
	[tilespmem:s30+$0x10] =	vst v0;
	s30 =	sadd.s32 $0x40, s30  }
0x60: {  	s0 =	sadd.s32 $0x1, s26  }
0x61: {  	s26 =	smov.u32 s13;
	p0 =	slt.s32 s0, s13  }
0x62: {  	s26 =	smov.u32 @p0 s0  }
0x63: {  	s0 =	sshrl.u32 s26, $0x3  }
0x64: {  	s26 =	sshll.u32 s26, $0x7;
	s0 =	smul.u32 $0xC3800, s0  }
0x65: {  	s25 =	sadd.s32 $0x1, s25;
	s26 =	sand.u32 $0x380, s26  }
0x66: {  	p0 =	sne.s32 s25, $0x10;
	s0 =	sor.u32 s26, s0  }
.Ltmp2:
0x67: {  	s0 =	sshrl.u32 s0, $0x3;
	(pc) =	sbr.rel @p0 .LBB2_2-.Ltmp2, $4  }
0x68: {  	s0 =	sadd.s32 s1, s0  }
0x69: {  	[tilespmem:s18], [sflag:$0x1] =	stream.strided.gather [hbm4b:s0+s16], $0x18700, s17, s16, $0x38;
	[tilespmem:$0x1B700] =	vst v63  }
0x6a: {  	_ = 	snop  }
0x6b: {  	[hbm4b:s28+s16] =	stream.strided.scatter [tilespmem:s20], [sflag:$0x3], $0x1000, s17, s16, $0x38;
	[tilespmem:$0x1B700] =	vst v63  }
0x6c: {  	_ =	swait.ge [sflag:s21], $0x18700  }
0x6d: {  	[sflag:s21] =	ssyncset.done $0x0  }
0x6e: {  	s24 =	sadd.s32 $0x1, s24;
	[sflag:s21] =	ssyncadd.s32 $0xFFFE7900  }
0x6f: {  	p0 =	sne.s32 s24, s14;
	_ =	swait.ge [sflag:s22], $0x1000  }
.Ltmp3:
0x70: {  	[sflag:s22] =	ssyncset.done $0x0;
	(pc) =	sbr.rel @p0 .LBB2_1-.Ltmp3, $4  }
0x71: {  	[sflag:s22] =	ssyncadd.s32 $0xFFFFF000  }
0x72: {  	_ =	swait.ge [sflag:s23], $0x1000  }
0x73: {  	[sflag:s23] =	ssyncset.done $0x0  }
0x74: {  	[sflag:s23] =	ssyncadd.s32 $0xFFFFF000  }
0x75: {  	_ =	sfence.sel $0x180000  }
0x76: {  	[bflag:$0x0] =	sbarrier.arrive $0xFFFF  }
0x77: {  	_ =	strace $0x90000047  }
0x78: {  	[bflag:$0x2] =	sbarrier.arrive $0xFFFF  }
0x79: {  	p0 =	sne.s32 s5, $0x0;
	s0 =	rddreg [dreg:$0x4]  }
0x7a: {  	s0 =	sadd.s32 @!p0 $0x100000, s0  }
0x7b: {  	[sflag:s0] =	ssyncadd.tile.s32 @!p0 $0x1;
	_ =	shalt  }
.Lfunc_end2:
_tile_overlayer_lowered:
.L_overlay_start_2:
0x7c: {  	(tag) =	ssettag $0x2  }
0x7d: {  	s0 =	rddreg [dreg:$0x0];
	s2 =	stileid.u32  }
0x7e: {  	s1 =	rddreg [dreg:$0x1];
	p0 =	sne.s32 s2, $0x0  }
0x7f: {  	s3 =	rddreg [dreg:$0x2];
	[bflag:$0x3] =	sbarrier.arrive $0xFFFF;
	s2 =	simm.s32 @!p0 $0x1C04  }
0x80: {  	[timem:s3], [sflag:s2] =	dma.local @!p0 [hbm:s0], s1  }
0x81: {  	s0 =	simm.s32 @!p0 $0x4  }
0x82: {  	_ =	swait.ge @!p0 [sflag:s0], s1  }
0x83: {  	s1 =	ssub.s32 @!p0 $0x0, s1;
	[sflag:s0] =	ssyncset.done @!p0 $0x0  }
0x84: {  	[sflag:s0] =	ssyncadd.s32 @!p0 s1  }
0x85: {  	[bflag:$0x3] =	sbarrier.arrive $0xFFFF  }
0x86: {  	_ =	shalt  }

</sc_bundles>
